<compile_context>
chip_gen: v7x
topology: tpu7x:2x2x1
jax: 0.10.2.dev20260603
libtpu: 0.0.44.dev20260713+nightly
codegen_flags: <defaults>
</compile_context>

<pallas_src>
import math

import jax
import jax.numpy as jnp
from jax import lax
from jax.experimental import pallas as pl
from jax.experimental.pallas import tpu as pltpu
from jax.experimental.pallas import tpu_sc as plsc

N = 10000
E = 320000
D = 128
H = 4
HD = D // H
DH = D // 2
INV_SQRT_HD = 1.0 / math.sqrt(HD)
ROWS_BLK = 2000

NC = 2
NS = 16
NW = NC * NS
CE_D = 125
NROWS_D = E // CE_D
NCH_D = NROWS_D // NW
CE = 80
NROWS_E = 4096
NCH_E = NROWS_E // NS
E_PAD = NROWS_E * CE - E
NP = 10240
ROWS_W = NP // NS
NPD = NP // 2
ROWS_WD = NPD // NS
TRASH_N = NP - 20
TRASH_D = NPD - 10

def _mesh():
    return plsc.VectorSubcoreMesh(
        core_axis_name="c", subcore_axis_name="s",
        num_cores=NC, num_subcores=NS)


_SC_PARAMS = pltpu.CompilerParams(needs_layout_passes=False, use_tc_tiling_on_sc=False)


def _deg_sc_body(ei_ref, zden_ref, out_ref, src2d, ones_v, den_sh):
    c = lax.axis_index("c")
    s = lax.axis_index("s")
    wid = s * NC + c
    r0 = s * ROWS_W

    pltpu.sync_copy(zden_ref.at[pl.ds(r0, ROWS_W)], den_sh.at[pl.ds(r0, ROWS_W)])

    def _fill(r, carry):
        ones_v[r, pl.ds(0, 16)] = jnp.full((16,), 1.0, jnp.float32)
        return carry
    lax.fori_loop(0, CE_D, _fill, None, unroll=4)

    pltpu.sync_copy(ei_ref.at[0, pl.ds(wid * NCH_D, NCH_D)], src2d)
    plsc.subcore_barrier()

    def _chunk(j, carry):
        pltpu.sync_copy(ones_v, den_sh.at[src2d.at[j]], add=True)
        return carry
    lax.fori_loop(0, NCH_D, _chunk, None)

    plsc.subcore_barrier()
    pltpu.sync_copy(den_sh.at[pl.ds(r0, ROWS_W)], out_ref.at[c, pl.ds(r0, ROWS_W)])


@jax.jit
def _deg_sc(ei3, zden):
    return pl.kernel(
        _deg_sc_body,
        out_type=jax.ShapeDtypeStruct((NC, NP, 16), jnp.float32),
        mesh=_mesh(),
        compiler_params=_SC_PARAMS,
        scratch_types=[
            pltpu.VMEM((NCH_D, CE_D), jnp.int32),
            pltpu.VMEM((CE_D, 16), jnp.float32),
            pltpu.MemorySpace.VMEM_SHARED((NP, 16), jnp.float32),
        ],
    )(ei3, zden)


def _edge_sc_body(q_ref, kv_ref, ei_ref, znum_ref, zdenh_ref,
                  num_out, den_out, src2d, dstg2d, dsts2d, dsth2d,
                  qb, kvb, msg, den_e, num_sh, den_sh, sems):
    c = lax.axis_index("c")
    s = lax.axis_index("s")
    r0 = s * ROWS_W
    rd0 = s * ROWS_WD

    pltpu.sync_copy(znum_ref.at[pl.ds(r0, ROWS_W)], num_sh.at[pl.ds(r0, ROWS_W)])
    pltpu.sync_copy(zdenh_ref.at[pl.ds(rd0, ROWS_WD)], den_sh.at[pl.ds(rd0, ROWS_WD)])
    plsc.subcore_barrier()

    iota = lax.iota(jnp.int32, 16)
    h0 = c * 2

    def _stage_idx(base):
        pltpu.sync_copy(ei_ref.at[2 * c, pl.ds(base, 8)], src2d)
        pltpu.sync_copy(ei_ref.at[2 * c + 1, pl.ds(base, 8)], dstg2d)
        pltpu.sync_copy(ei_ref.at[1, pl.ds(base, 8)], dsts2d)
        pltpu.sync_copy(ei_ref.at[4, pl.ds(base, 8)], dsth2d)

    def _issue_gather(row, b):
        cq = pltpu.async_copy(q_ref.at[dstg2d.at[row]], qb.at[b], sems.at[b])
        ckv = pltpu.async_copy(kv_ref.at[src2d.at[row]], kvb.at[b], sems.at[b])
        return (cq, ckv)

    def _wait_gather(b):
        pltpu.make_async_copy(q_ref.at[dstg2d.at[0]], qb.at[b], sems.at[b]).wait()
        pltpu.make_async_copy(kv_ref.at[src2d.at[0]], kvb.at[b], sems.at[b]).wait()

    def _compute(row, b, sb):
        def _group(g, carry2):
            par = dsts2d[row, pl.ds(g * 16, 16)] & 1
            for el in range(16):
                e = g * 16 + el
                lane0 = par[el] * 8 + h0
                dvec = jnp.zeros((16,), jnp.float32)
                for lh in range(2):
                    col = lh * HD
                    a = (qb[b, e, pl.ds(col, 16)] * kvb[b, e, pl.ds(col, 16)]
                         + qb[b, e, pl.ds(col + 16, 16)] * kvb[b, e, pl.ds(col + 16, 16)])
                    att = jnp.sum(a) * INV_SQRT_HD
                    att = jnp.minimum(jnp.maximum(att, -50.0), 50.0)
                    ex = jnp.exp(jnp.full((16,), att, jnp.float32))
                    msg[sb, e, pl.ds(col, 16)] = kvb[b, e, pl.ds(DH + col, 16)] * ex
                    msg[sb, e, pl.ds(col + 16, 16)] = kvb[b, e, pl.ds(DH + col + 16, 16)] * ex
                    dvec = dvec + ex * jnp.where(iota == lane0 + lh, 1.0, 0.0)
                den_e[sb, e, pl.ds(0, 16)] = dvec
            return carry2

        lax.fori_loop(0, CE // 16, _group, None)

    def _issue_scatter(row, b, sb):
        pltpu.async_copy(msg.at[sb], num_sh.at[dsts2d.at[row]], sems.at[2 + sb], add=True)
        pltpu.async_copy(den_e.at[sb], den_sh.at[dsth2d.at[row]], sems.at[2 + sb], add=True)

    def _wait_scatter(sb):
        pltpu.make_async_copy(msg.at[sb], num_sh.at[dsts2d.at[0]], sems.at[2 + sb]).wait()
        pltpu.make_async_copy(den_e.at[sb], den_sh.at[dsth2d.at[0]], sems.at[2 + sb]).wait()

    _stage_idx(s * NCH_E)
    _issue_gather(0, 0)

    def _slab(jj, carry0):
        base = s * NCH_E + jj * 8

        for jc in range(8):
            cur = jc % 2
            nxt = 1 - cur
            _wait_gather(cur)
            if jc < 7:
                _issue_gather(jc + 1, nxt)
            if jc >= 2:
                _wait_scatter(cur)
            _compute(jc, cur, cur)
            _issue_scatter(jc, cur, cur)

        @pl.when(jj < NCH_E // 8 - 1)
        def _():
            _wait_scatter(0)
            _wait_scatter(1)
            _stage_idx(base + 8)
            _issue_gather(0, 0)
        return carry0

    lax.fori_loop(0, NCH_E // 8, _slab, None)

    _wait_scatter(0)
    _wait_scatter(1)
    plsc.subcore_barrier()
    pltpu.sync_copy(num_sh.at[pl.ds(r0, ROWS_W)], num_out.at[c, pl.ds(r0, ROWS_W)])
    pltpu.sync_copy(den_sh.at[pl.ds(rd0, ROWS_WD)], den_out.at[c, pl.ds(rd0, ROWS_WD)])


@jax.jit
def _edge_sc(qf, kvf, ei_all, znum, zdenh):
    return pl.kernel(
        _edge_sc_body,
        out_type=[
            jax.ShapeDtypeStruct((NC, NP, DH), jnp.float32),
            jax.ShapeDtypeStruct((NC, NPD, 16), jnp.float32),
        ],
        mesh=_mesh(),
        compiler_params=_SC_PARAMS,
        scratch_types=[
            pltpu.VMEM((8, CE), jnp.int32),
            pltpu.VMEM((8, CE), jnp.int32),
            pltpu.VMEM((8, CE), jnp.int32),
            pltpu.VMEM((8, CE), jnp.int32),
            pltpu.VMEM((2, CE, DH), jnp.float32),
            pltpu.VMEM((2, CE, D), jnp.float32),
            pltpu.VMEM((2, CE, DH), jnp.float32),
            pltpu.VMEM((2, CE, 16), jnp.float32),
            pltpu.MemorySpace.VMEM_SHARED((NP, DH), jnp.float32),
            pltpu.MemorySpace.VMEM_SHARED((NPD, 16), jnp.float32),
            pltpu.SemaphoreType.DMA((4,)),
        ],
    )(qf, kvf, ei_all, znum, zdenh)


def _deg_norm_body(deg_ref, out_ref):
    deg = deg_ref[0, :, 0:1] + deg_ref[1, :, 0:1] + 1.0
    mu = jnp.mean(deg)
    var = jnp.sum((deg - mu) ** 2) / (N - 1)
    inv = 1.0 / (jnp.sqrt(var) + 1e-6)
    out_ref[...] = jnp.broadcast_to((deg - mu) * inv, out_ref.shape)


def _ln(x, g, b, eps=1e-5):
    mu = jnp.mean(x, axis=-1, keepdims=True)
    var = jnp.mean((x - mu) ** 2, axis=-1, keepdims=True)
    return (x - mu) * jax.lax.rsqrt(var + eps) * g + b


def _pre_body(x_ref, dn_ref, wp_ref, bp_ref, wd_ref, bd_ref, ln1g_ref,
              ln1b_ref, wq_ref, bq_ref, wk_ref, bk_ref, wv_ref, bv_ref,
              q_ref, kv_ref):
    x = x_ref[...]
    xn = _ln(x, ln1g_ref[...], ln1b_ref[...])
    pos = jnp.dot(xn, wp_ref[...], preferred_element_type=jnp.float32)
    pos = pos + bp_ref[...] + dn_ref[:, 0:1] * wd_ref[...] + bd_ref[...]
    xp = xn + pos
    q = jnp.dot(xp, wq_ref[...], preferred_element_type=jnp.float32) + bq_ref[...]
    k = jnp.dot(xp, wk_ref[...], preferred_element_type=jnp.float32) + bk_ref[...]
    v = jnp.dot(xp, wv_ref[...], preferred_element_type=jnp.float32) + bv_ref[...]
    q_ref[0] = q[:, :DH]
    q_ref[1] = q[:, DH:]
    kv_ref[0] = jnp.concatenate([k[:, :DH], v[:, :DH]], axis=-1)
    kv_ref[1] = jnp.concatenate([k[:, DH:], v[:, DH:]], axis=-1)


def _post_body(x_ref, q_ref, kv_ref, num_ref, den_ref, wo_ref, bo_ref,
               ln2g_ref, ln2b_ref, wf1_ref, bf1_ref, wf2_ref, bf2_ref,
               out_ref):
    x = x_ref[...]
    q = jnp.concatenate([q_ref[0], q_ref[1]], axis=-1)
    k = jnp.concatenate([kv_ref[0, :, :DH], kv_ref[1, :, :DH]], axis=-1)
    v = jnp.concatenate([kv_ref[0, :, DH:], kv_ref[1, :, DH:]], axis=-1)
    num = jnp.concatenate([num_ref[0], num_ref[1]], axis=-1)
    den = den_ref[0] + den_ref[1]
    agg_parts = []
    for h in range(H):
        sl = slice(h * HD, (h + 1) * HD)
        att_s = jnp.sum(q[:, sl] * k[:, sl], axis=-1, keepdims=True) * INV_SQRT_HD
        ex_s = jnp.exp(jnp.clip(att_s, -50.0, 50.0))
        num_h = num[:, sl] + v[:, sl] * ex_s
        den_h = den[:, h:h + 1] + ex_s
        agg_parts.append(num_h / (den_h + 1e-16))
    agg = jnp.concatenate(agg_parts, axis=-1)
    attn = jnp.dot(agg, wo_ref[...], preferred_element_type=jnp.float32) + bo_ref[...]
    x1 = x + attn
    y = _ln(x1, ln2g_ref[...], ln2b_ref[...])
    hmid = jnp.dot(y, wf1_ref[...], preferred_element_type=jnp.float32) + bf1_ref[...]
    hmid = hmid * 0.5 * (1.0 + jax.lax.erf(hmid * (1.0 / math.sqrt(2.0))))
    out_ref[...] = x1 + jnp.dot(hmid, wf2_ref[...], preferred_element_type=jnp.float32) + bf2_ref[...]


def _row_blk(i):
    return (i, 0)


def _rep(i):
    return (0, 0)


def _half_blk(i):
    return (0, i, 0)


def kernel(x, edge_index, Wq, bq, Wk, bk, Wv, bv, Wo, bo, Wp, bp, Wd, bd,
           ln1_g, ln1_b, ln2_g, ln2_b, Wf1, bf1, Wf2, bf2):
    f32 = jnp.float32
    i32 = jnp.int32
    ei_deg = edge_index.reshape(2, NROWS_D, CE_D)
    znum = jnp.zeros((NP, DH), f32)
    zden = jnp.zeros((NP, 16), f32)

    deg2 = _deg_sc(ei_deg, zden)[:, :N]

    dn = pl.pallas_call(
        _deg_norm_body,
        out_shape=jax.ShapeDtypeStruct((N, 16), f32),
    )(deg2)

    b2 = lambda a: a.reshape(1, -1)
    wspec = pl.BlockSpec((D, D), _rep)
    bspec = pl.BlockSpec((1, D), _rep)
    hspec = pl.BlockSpec((2, ROWS_BLK, DH), _half_blk)
    fspec = pl.BlockSpec((2, ROWS_BLK, D), _half_blk)
    q2, kv2 = pl.pallas_call(
        _pre_body,
        grid=(N // ROWS_BLK,),
        in_specs=[
            pl.BlockSpec((ROWS_BLK, D), _row_blk),
            pl.BlockSpec((ROWS_BLK, 16), _row_blk),
            wspec, bspec, pl.BlockSpec((1, D), _rep), bspec,
            bspec, bspec,
            wspec, bspec, wspec, bspec, wspec, bspec,
        ],
        out_specs=[hspec, fspec],
        out_shape=[jax.ShapeDtypeStruct((2, N, DH), f32),
                   jax.ShapeDtypeStruct((2, N, D), f32)],
    )(x, dn, Wp, b2(bp), Wd, b2(bd), b2(ln1_g), b2(ln1_b),
      Wq, b2(bq), Wk, b2(bk), Wv, b2(bv))

    src = edge_index[0]
    dst = edge_index[1]
    pad = lambda a, val: jnp.concatenate(
        [a, jnp.full((E_PAD,), val, i32)]).reshape(1, NROWS_E, CE)
    ei_all = jnp.concatenate([
        pad(src, 0),
        pad(dst, TRASH_N),
        pad(src + N, N),
        pad(dst + N, N),
        pad(dst >> 1, TRASH_D),
    ], axis=0)
    zdenh = jnp.zeros((NPD, 16), f32)
    num2, den2 = _edge_sc(q2.reshape(2 * N, DH), kv2.reshape(2 * N, D),
                          ei_all, znum, zdenh)
    num2 = num2[:, :N]
    den2 = den2.reshape(NC, NP, 8)[:, :N]

    out = pl.pallas_call(
        _post_body,
        grid=(N // ROWS_BLK,),
        in_specs=[
            pl.BlockSpec((ROWS_BLK, D), _row_blk),
            hspec, fspec,
            hspec,
            pl.BlockSpec((2, ROWS_BLK, 8), _half_blk),
            wspec, bspec, bspec, bspec,
            pl.BlockSpec((D, 4 * D), _rep), pl.BlockSpec((1, 4 * D), _rep),
            pl.BlockSpec((4 * D, D), _rep), bspec,
        ],
        out_specs=pl.BlockSpec((ROWS_BLK, D), _row_blk),
        out_shape=jax.ShapeDtypeStruct((N, D), f32),
    )(x, q2, kv2, num2, den2, Wo, b2(bo), b2(ln2_g), b2(ln2_b),
      Wf1, b2(bf1), Wf2, b2(bf2))
    return out

# --- scband reference (transcript-rebuilt; emitter-appended) ---
"""Pipeline reference for scband-graph-transformer-3813930959277 (READ-ONLY COPY).

The authoritative reference and input builder live on the scoring server;
editing this copy changes nothing except your own understanding.
"""

import jax, jax.numpy as jnp
import numpy as np

N = 10000
E = 320000
D = 128
H = 4
HD = D // H


def _layer_norm(x, g, b, eps=1e-5):
    mu = x.mean(axis=-1, keepdims=True)
    var = ((x - mu) ** 2).mean(axis=-1, keepdims=True)
    return (x - mu) / jnp.sqrt(var + eps) * g + b


def setup_inputs(seed: int = 0):
    key = jax.random.key(seed)
    ks = jax.random.split(key, 16)

    def lin(k, fin, fout):
        return jax.random.normal(k, (fin, fout), jnp.float32) / np.sqrt(fin)

    inp = {}
    inp["x"] = jax.random.normal(ks[0], (N, D), jnp.float32)
    inp["edge_index"] = jax.random.randint(ks[1], (2, E), 0, N, dtype=jnp.int32)
    inp["Wq"] = lin(ks[2], D, D); inp["bq"] = jnp.zeros((D,), jnp.float32)
    inp["Wk"] = lin(ks[3], D, D); inp["bk"] = jnp.zeros((D,), jnp.float32)
    inp["Wv"] = lin(ks[4], D, D); inp["bv"] = jnp.zeros((D,), jnp.float32)
    inp["Wo"] = lin(ks[5], D, D); inp["bo"] = jnp.zeros((D,), jnp.float32)
    inp["Wp"] = lin(ks[6], D, D); inp["bp"] = jnp.zeros((D,), jnp.float32)
    inp["Wd"] = lin(ks[7], 1, D); inp["bd"] = jnp.zeros((D,), jnp.float32)
    inp["ln1_g"] = jnp.ones((D,), jnp.float32); inp["ln1_b"] = jnp.zeros((D,), jnp.float32)
    inp["ln2_g"] = jnp.ones((D,), jnp.float32); inp["ln2_b"] = jnp.zeros((D,), jnp.float32)
    inp["Wf1"] = lin(ks[8], D, 4 * D); inp["bf1"] = jnp.zeros((4 * D,), jnp.float32)
    inp["Wf2"] = lin(ks[9], 4 * D, D); inp["bf2"] = jnp.zeros((D,), jnp.float32)
    return inp


def reference(x, edge_index, Wq, bq, Wk, bk, Wv, bv, Wo, bo, Wp, bp, Wd, bd, ln1_g, ln1_b, ln2_g, ln2_b, Wf1, bf1, Wf2, bf2):
    n = x.shape[0]
    loops = jnp.arange(n, dtype=edge_index.dtype)
    ei = jnp.concatenate([edge_index, jnp.stack([loops, loops])], axis=1)
    src = ei[0]
    dst = ei[1]
    # pre-attention layer norm
    xn = _layer_norm(x, ln1_g, ln1_b)
    # positional encoding: learnable proj + degree bias
    pos = xn @ Wp + bp
    deg = jax.ops.segment_sum(jnp.ones((src.shape[0],), x.dtype), src, num_segments=n)
    deg = (deg - deg.mean()) / (jnp.std(deg, ddof=1) + 1e-6)
    pos = pos + deg[:, None] @ Wd + bd
    xp = xn + pos
    # multi-head attention over incoming neighbors (project per-node, then gather)
    q = (xp @ Wq + bq).reshape(n, H, HD)
    k = (xp @ Wk + bk).reshape(n, H, HD)
    v = (xp @ Wv + bv).reshape(n, H, HD)
    qi = q[dst]
    kj = k[src]
    vj = v[src]
    att = (qi * kj).sum(axis=-1) / np.sqrt(HD)
    att = jnp.clip(att, -50.0, 50.0)
    att = jnp.nan_to_num(att, nan=0.0, posinf=50.0, neginf=-50.0)
    # segment softmax over destination nodes (per head)
    seg_max = jax.ops.segment_max(att, dst, num_segments=n)
    seg_max = jnp.where(jnp.isfinite(seg_max), seg_max, 0.0)
    ex = jnp.exp(att - seg_max[dst])
    denom = jax.ops.segment_sum(ex, dst, num_segments=n)
    alpha = ex / (denom[dst] + 1e-16)
    msg = (vj * alpha[..., None]).reshape(-1, H * HD)
    agg = jax.ops.segment_sum(msg, dst, num_segments=n)
    attn_out = agg @ Wo + bo
    x1 = x + attn_out
    h = jax.nn.gelu(_layer_norm(x1, ln2_g, ln2_b) @ Wf1 + bf1, approximate=False)
    return x1 + (h @ Wf2 + bf2)

if __name__ == "__main__":
    import jax
    _d = setup_inputs()
    print(jax.jit(kernel)(*tuple(_d.values())))

</pallas_src>

<mosaic_0001>
#map = affine_map<(d0, d1) -> (0, 0, 0)>
#map1 = affine_map<(d0, d1) -> (0, 0)>
module attributes {stable_mosaic.version = 14 : i64} {
  func.func @_deg_sc_body(%arg0: i32, %arg1: i32, %arg2: memref<2x2560x125xi32, #tpu.memory_space<hbm>>, %arg3: memref<10240x16xf32, #tpu.memory_space<hbm>>, %arg4: memref<2x10240x16xf32, #tpu.memory_space<hbm>>, %arg5: memref<80x125xi32, #tpu.memory_space<vmem>>, %arg6: memref<125x16xf32, #tpu.memory_space<vmem>>, %arg7: memref<10240x16xf32, #tpu.memory_space<vmem_shared>>) attributes {dimension_semantics = [#tpu.dimension_semantics<core_parallel>, #tpu.dimension_semantics<subcore_parallel>], iteration_bounds = array<i64: 2, 16>, scalar_prefetch = 0 : i64, scratch_operands = 3 : i64, tpu.core_type = #tpu.core_type<sc_vector_subcore>, window_params = [{transform_indices = #map}, {transform_indices = #map1}, {transform_indices = #map}]} {
    %mul3A = arith.constant 2 : i32
    %mul3A_0 = arith.muli %arg1, %mul3A : i32
    %add3A = arith.addi %mul3A_0, %arg0 : i32
    %mul3A_1 = arith.constant 640 : i32
    %mul3A_2 = arith.muli %arg1, %mul3A_1 : i32
    "tpu.region"() ({
      %run_scoped3A_20 = tpu.sem_alloc : memref<!tpu.dma_semaphore, #tpu.memory_space<semaphore_mem>>
      %dma_start3A = arith.constant 0 : i32
      %dma_start3A_21 = tpu.memref_slice %arg7[%mul3A_2, %dma_start3A] : memref<10240x16xf32, #tpu.memory_space<vmem_shared>> -> memref<640x16xf32, #tpu.memory_space<vmem_shared>>
      %dma_start3A_22 = arith.constant 0 : i32
      %dma_start3A_23 = tpu.memref_slice %arg3[%mul3A_2, %dma_start3A_22] : memref<10240x16xf32, #tpu.memory_space<hbm>> -> memref<640x16xf32, #tpu.memory_space<hbm>>
      tpu.enqueue_dma source(%dma_start3A_23 : memref<640x16xf32, #tpu.memory_space<hbm>>) target(%dma_start3A_21 : memref<640x16xf32, #tpu.memory_space<vmem_shared>>) target_semaphore(%run_scoped3A_20 : memref<!tpu.dma_semaphore, #tpu.memory_space<semaphore_mem>>)
      %dma_wait3A = arith.constant 0 : i32
      %dma_wait3A_24 = tpu.memref_slice %arg7[%mul3A_2, %dma_wait3A] : memref<10240x16xf32, #tpu.memory_space<vmem_shared>> -> memref<640x16xf32, #tpu.memory_space<vmem_shared>>
      %dma_wait3A_25 = arith.constant 0 : i32
      %dma_wait3A_26 = tpu.memref_slice %arg3[%mul3A_2, %dma_wait3A_25] : memref<10240x16xf32, #tpu.memory_space<hbm>> -> memref<640x16xf32, #tpu.memory_space<hbm>>
      tpu.wait_dma2 semaphore(%run_scoped3A_20 : memref<!tpu.dma_semaphore, #tpu.memory_space<semaphore_mem>>) src(%dma_wait3A_26 : memref<640x16xf32, #tpu.memory_space<hbm>>) dst(%dma_wait3A_24 : memref<640x16xf32, #tpu.memory_space<vmem_shared>>)
      tpu.yield
    }) : () -> ()
    %scan3A = arith.constant 0 : i32
    %scan3A_3 = arith.constant 124 : i32
    %scan3A_4 = arith.addi %scan3A, %scan3A_3 : i32
    %scan3A_5 = arith.constant 4 : i32
    scf.for %scan3A_20 = %scan3A to %scan3A_4 step %scan3A_5  : i32 {
      %broadcast_in_dim3A_21 = arith.constant 1.000000e+00 : f32
      %broadcast_in_dim3A_22 = vector.broadcast %broadcast_in_dim3A_21 : f32 to vector<16xf32>
      %swap3A_23 = arith.index_cast %scan3A_20 : i32 to index
      %swap3A_24 = arith.constant 0 : index
      %swap3A_25 = tpu.vector_load %arg6[%swap3A_23, %swap3A_24] {strides = array<i32>} : memref<125x16xf32, #tpu.memory_space<vmem>>, vector<16xf32>,
      tpu.vector_store %arg6[%swap3A_23, %swap3A_24], %broadcast_in_dim3A_22 {strides = array<i32>} : memref<125x16xf32, #tpu.memory_space<vmem>>, vector<16xf32>,
      %scan3A_26 = arith.constant 1 : i32
      %scan3A_27 = arith.addi %scan3A_20, %scan3A_26 : i32
      %broadcast_in_dim3A_28 = arith.constant 1.000000e+00 : f32
      %broadcast_in_dim3A_29 = vector.broadcast %broadcast_in_dim3A_28 : f32 to vector<16xf32>
      %swap3A_30 = arith.index_cast %scan3A_27 : i32 to index
      %swap3A_31 = arith.constant 0 : index
      %swap3A_32 = tpu.vector_load %arg6[%swap3A_30, %swap3A_31] {strides = array<i32>} : memref<125x16xf32, #tpu.memory_space<vmem>>, vector<16xf32>,
      tpu.vector_store %arg6[%swap3A_30, %swap3A_31], %broadcast_in_dim3A_29 {strides = array<i32>} : memref<125x16xf32, #tpu.memory_space<vmem>>, vector<16xf32>,
      %scan3A_33 = arith.constant 2 : i32
      %scan3A_34 = arith.addi %scan3A_20, %scan3A_33 : i32
      %broadcast_in_dim3A_35 = arith.constant 1.000000e+00 : f32
      %broadcast_in_dim3A_36 = vector.broadcast %broadcast_in_dim3A_35 : f32 to vector<16xf32>
      %swap3A_37 = arith.index_cast %scan3A_34 : i32 to index
      %swap3A_38 = arith.constant 0 : index
      %swap3A_39 = tpu.vector_load %arg6[%swap3A_37, %swap3A_38] {strides = array<i32>} : memref<125x16xf32, #tpu.memory_space<vmem>>, vector<16xf32>,
      tpu.vector_store %arg6[%swap3A_37, %swap3A_38], %broadcast_in_dim3A_36 {strides = array<i32>} : memref<125x16xf32, #tpu.memory_space<vmem>>, vector<16xf32>,
      %scan3A_40 = arith.constant 3 : i32
      %scan3A_41 = arith.addi %scan3A_20, %scan3A_40 : i32
      %broadcast_in_dim3A_42 = arith.constant 1.000000e+00 : f32
      %broadcast_in_dim3A_43 = vector.broadcast %broadcast_in_dim3A_42 : f32 to vector<16xf32>
      %swap3A_44 = arith.index_cast %scan3A_41 : i32 to index
      %swap3A_45 = arith.constant 0 : index
      %swap3A_46 = tpu.vector_load %arg6[%swap3A_44, %swap3A_45] {strides = array<i32>} : memref<125x16xf32, #tpu.memory_space<vmem>>, vector<16xf32>,
      tpu.vector_store %arg6[%swap3A_44, %swap3A_45], %broadcast_in_dim3A_43 {strides = array<i32>} : memref<125x16xf32, #tpu.memory_space<vmem>>, vector<16xf32>,
    }
    %scan3A_6 = arith.constant 124 : i32
    %scan3A_7 = arith.addi %scan3A, %scan3A_6 : i32
    %broadcast_in_dim3A = arith.constant 1.000000e+00 : f32
    %broadcast_in_dim3A_8 = vector.broadcast %broadcast_in_dim3A : f32 to vector<16xf32>
    %swap3A = arith.index_cast %scan3A_7 : i32 to index
    %swap3A_9 = arith.constant 0 : index
    %swap3A_10 = tpu.vector_load %arg6[%swap3A, %swap3A_9] {strides = array<i32>} : memref<125x16xf32, #tpu.memory_space<vmem>>, vector<16xf32>,
    tpu.vector_store %arg6[%swap3A, %swap3A_9], %broadcast_in_dim3A_8 {strides = array<i32>} : memref<125x16xf32, #tpu.memory_space<vmem>>, vector<16xf32>,
    %scan3A_11 = arith.constant 125 : i32
    %mul3A_12 = arith.constant 80 : i32
    %mul3A_13 = arith.muli %add3A, %mul3A_12 : i32
    %run_scoped3A = arith.constant 0 : i32
    "tpu.region"() ({
      %run_scoped3A_20 = tpu.sem_alloc : memref<!tpu.dma_semaphore, #tpu.memory_space<semaphore_mem>>
      %dma_start3A = arith.constant 0 : i32
      %dma_start3A_21 = tpu.memref_slice %arg2[%run_scoped3A, %mul3A_13, %dma_start3A] : memref<2x2560x125xi32, #tpu.memory_space<hbm>> -> memref<1x80x125xi32, #tpu.memory_space<hbm>>
      %dma_start3A_22 = tpu.memref_squeeze %dma_start3A_21 : memref<1x80x125xi32, #tpu.memory_space<hbm>> -> memref<80x125xi32, #tpu.memory_space<hbm>>
      %dma_start3A_23 = arith.constant 0 : i32
      %dma_start3A_24 = tpu.memref_slice %arg2[%run_scoped3A, %mul3A_13, %dma_start3A_23] : memref<2x2560x125xi32, #tpu.memory_space<hbm>> -> memref<1x80x125xi32, #tpu.memory_space<hbm>>
      %dma_start3A_25 = tpu.memref_squeeze %dma_start3A_24 : memref<1x80x125xi32, #tpu.memory_space<hbm>> -> memref<80x125xi32, #tpu.memory_space<hbm>>
      tpu.enqueue_dma source(%dma_start3A_25 : memref<80x125xi32, #tpu.memory_space<hbm>>) target(%arg5 : memref<80x125xi32, #tpu.memory_space<vmem>>) target_semaphore(%run_scoped3A_20 : memref<!tpu.dma_semaphore, #tpu.memory_space<semaphore_mem>>)
      %dma_wait3A = arith.constant 0 : i32
      %dma_wait3A_26 = tpu.memref_slice %arg2[%run_scoped3A, %mul3A_13, %dma_wait3A] : memref<2x2560x125xi32, #tpu.memory_space<hbm>> -> memref<1x80x125xi32, #tpu.memory_space<hbm>>
      %dma_wait3A_27 = tpu.memref_squeeze %dma_wait3A_26 : memref<1x80x125xi32, #tpu.memory_space<hbm>> -> memref<80x125xi32, #tpu.memory_space<hbm>>
      %dma_wait3A_28 = arith.constant 0 : i32
      %dma_wait3A_29 = tpu.memref_slice %arg2[%run_scoped3A, %mul3A_13, %dma_wait3A_28] : memref<2x2560x125xi32, #tpu.memory_space<hbm>> -> memref<1x80x125xi32, #tpu.memory_space<hbm>>
      %dma_wait3A_30 = tpu.memref_squeeze %dma_wait3A_29 : memref<1x80x125xi32, #tpu.memory_space<hbm>> -> memref<80x125xi32, #tpu.memory_space<hbm>>
      tpu.wait_dma2 semaphore(%run_scoped3A_20 : memref<!tpu.dma_semaphore, #tpu.memory_space<semaphore_mem>>) src(%dma_wait3A_30 : memref<80x125xi32, #tpu.memory_space<hbm>>) dst(%arg5 : memref<80x125xi32, #tpu.memory_space<vmem>>)
      tpu.yield
    }) : () -> ()
    %barrier3A = arith.constant 0 : index
    tpu.barrier barrier_id(%barrier3A)
    %scan3A_14 = arith.constant 0 : i32
    %scan3A_15 = arith.constant 80 : i32
    %scan3A_16 = arith.addi %scan3A_14, %scan3A_15 : i32
    %scan3A_17 = arith.constant 1 : i32
    scf.for %scan3A_20 = %scan3A_14 to %scan3A_16 step %scan3A_17  : i32 {
      "tpu.region"() ({
        %run_scoped3A_21 = tpu.sem_alloc : memref<!tpu.dma_semaphore, #tpu.memory_space<semaphore_mem>>
        %dma_start3A = arith.constant 0 : i32
        %dma_start3A_22 = tpu.memref_slice %arg5[%scan3A_20, %dma_start3A] : memref<80x125xi32, #tpu.memory_space<vmem>> -> memref<1x125xi32, #tpu.memory_space<vmem>>
        %dma_start3A_23 = tpu.memref_squeeze %dma_start3A_22 : memref<1x125xi32, #tpu.memory_space<vmem>> -> memref<125xi32, #tpu.memory_space<vmem>>
        %dma_start3A_24 = arith.constant 0 : i32
        %dma_start3A_25 = arith.constant 0 : i32
        %dma_start3A_26 = tpu.memref_slice %arg7[%dma_start3A_24, %dma_start3A_25] : memref<10240x16xf32, #tpu.memory_space<vmem_shared>> -> memref<10240x16xf32, #tpu.memory_space<vmem_shared>>
        tpu.enqueue_indirect_dma source(%arg6 : memref<125x16xf32, #tpu.memory_space<vmem>>) target(%dma_start3A_26 : memref<10240x16xf32, #tpu.memory_space<vmem_shared>>) offsets(%dma_start3A_23 : memref<125xi32, #tpu.memory_space<vmem>>) semaphore(%run_scoped3A_21 : memref<!tpu.dma_semaphore, #tpu.memory_space<semaphore_mem>>) {add = true}
        %dma_wait3A = arith.constant 0 : i32
        %dma_wait3A_27 = tpu.memref_slice %arg5[%scan3A_20, %dma_wait3A] : memref<80x125xi32, #tpu.memory_space<vmem>> -> memref<1x125xi32, #tpu.memory_space<vmem>>
        %dma_wait3A_28 = tpu.memref_squeeze %dma_wait3A_27 : memref<1x125xi32, #tpu.memory_space<vmem>> -> memref<125xi32, #tpu.memory_space<vmem>>
        %dma_wait3A_29 = arith.constant 0 : i32
        %dma_wait3A_30 = arith.constant 0 : i32
        %dma_wait3A_31 = tpu.memref_slice %arg7[%dma_wait3A_29, %dma_wait3A_30] : memref<10240x16xf32, #tpu.memory_space<vmem_shared>> -> memref<10240x16xf32, #tpu.memory_space<vmem_shared>>
        tpu.wait_indirect_dma semaphore(%run_scoped3A_21 : memref<!tpu.dma_semaphore, #tpu.memory_space<semaphore_mem>>) src(%arg6 : memref<125x16xf32, #tpu.memory_space<vmem>>) dst(%dma_wait3A_31 : memref<10240x16xf32, #tpu.memory_space<vmem_shared>>)
        tpu.yield
      }) : () -> ()
    }
    %scan3A_18 = arith.constant 80 : i32
    %barrier3A_19 = arith.constant 0 : index
    tpu.barrier barrier_id(%barrier3A_19)
    "tpu.region"() ({
      %run_scoped3A_20 = tpu.sem_alloc : memref<!tpu.dma_semaphore, #tpu.memory_space<semaphore_mem>>
      %dma_start3A = arith.constant 0 : i32
      %dma_start3A_21 = tpu.memref_slice %arg4[%arg0, %mul3A_2, %dma_start3A] : memref<2x10240x16xf32, #tpu.memory_space<hbm>> -> memref<1x640x16xf32, #tpu.memory_space<hbm>>
      %dma_start3A_22 = tpu.memref_squeeze %dma_start3A_21 : memref<1x640x16xf32, #tpu.memory_space<hbm>> -> memref<640x16xf32, #tpu.memory_space<hbm>>
      %dma_start3A_23 = arith.constant 0 : i32
      %dma_start3A_24 = tpu.memref_slice %arg7[%mul3A_2, %dma_start3A_23] : memref<10240x16xf32, #tpu.memory_space<vmem_shared>> -> memref<640x16xf32, #tpu.memory_space<vmem_shared>>
      tpu.enqueue_dma source(%dma_start3A_24 : memref<640x16xf32, #tpu.memory_space<vmem_shared>>) target(%dma_start3A_22 : memref<640x16xf32, #tpu.memory_space<hbm>>) target_semaphore(%run_scoped3A_20 : memref<!tpu.dma_semaphore, #tpu.memory_space<semaphore_mem>>)
      %dma_wait3A = arith.constant 0 : i32
      %dma_wait3A_25 = tpu.memref_slice %arg4[%arg0, %mul3A_2, %dma_wait3A] : memref<2x10240x16xf32, #tpu.memory_space<hbm>> -> memref<1x640x16xf32, #tpu.memory_space<hbm>>
      %dma_wait3A_26 = tpu.memref_squeeze %dma_wait3A_25 : memref<1x640x16xf32, #tpu.memory_space<hbm>> -> memref<640x16xf32, #tpu.memory_space<hbm>>
      %dma_wait3A_27 = arith.constant 0 : i32
      %dma_wait3A_28 = tpu.memref_slice %arg7[%mul3A_2, %dma_wait3A_27] : memref<10240x16xf32, #tpu.memory_space<vmem_shared>> -> memref<640x16xf32, #tpu.memory_space<vmem_shared>>
      tpu.wait_dma2 semaphore(%run_scoped3A_20 : memref<!tpu.dma_semaphore, #tpu.memory_space<semaphore_mem>>) src(%dma_wait3A_28 : memref<640x16xf32, #tpu.memory_space<vmem_shared>>) dst(%dma_wait3A_26 : memref<640x16xf32, #tpu.memory_space<hbm>>)
      tpu.yield
    }) : () -> ()
    return
  }
}

</mosaic_0001>

<sc_bundles>
// kernel: _deg_sc.3.cloned.1.call-start
scs
__scs_entry_jumppad:
0x0: {  	(pc) =	sbr.rel $0x88, $3  }
0x1: {  	(tag) =	ssettag $0x0;
	lr =	simm.s32 $0x1  }
0x2: {  	[smem:$0x3F9F] =	sst lr;
	_ =	strace $0xD0000000  }
0x3: {  	_ = 	snop  }
0x4: {  	_ = 	snop  }
0x5: {  	_ = 	snop  }
0x6: {  	_ = 	snop  }
0x7: {  	_ = 	snop  }
__scs_overlays_trampoline_lowered:
0x8: {  	[smem:$0x3FAE] =	sst s0  }
0x9: {  	[smem:$0x3FAF] =	sst s1  }
0xa: {  	[smem:$0x3FB0] =	sst s2  }
0xb: {  	[smem:$0x3FB1] =	sst s3  }
0xc: {  	[smem:$0x3FB2] =	sst s4  }
0xd: {  	[smem:$0x3FB3] =	sst s5  }
0xe: {  	[smem:$0x3FB4] =	sst s6  }
0xf: {  	[smem:$0x3FB5] =	sst s7  }
0x10: {  	[smem:$0x3FB6] =	sst s8  }
0x11: {  	[smem:$0x3FB7] =	sst s9;
	s0 =	simm.s32 @!p0 $0x0  }
0x12: {  	s1 =	sld [smem:$0x3F9D];
	s0 =	simm.s32 @p0 $0x1  }
0x13: {  	[smem:$0x3FB8] =	sst s0;
	s0 =	simm.s32 @!p1 $0x0  }
0x14: {  	s2 =	sld [smem:$0x3F9C];
	s0 =	simm.s32 @p1 $0x1  }
0x15: {  	[smem:$0x3FB9] =	sst s0;
	s0 =	simm.s32 @!p2 $0x0  }
0x16: {  	s3 =	sld [smem:$0x3FDB];
	s0 =	simm.s32 @p2 $0x1  }
0x17: {  	s4 =	simm.s32 $0x1BF5;
	[smem:$0x3FBB] =	sst s0  }
0x18: {  	s0 =	sld [smem:$0x3F9E];
	_ =	swait.ge [sflag:s4], $0x0  }
0x19: {  	s7 =	sld [smem:$0x3F9F]  }
0x1a: {  	s8 =	sadd.s32 $0xFFFFE003, lr  }
0x1b: {  	s9 =	sadd.s32 $0xFFFFFEF7, lr;
	s5 =	simm.s32 $0xFFFFFFFF;
	p2 =	slt.u32 s8, $0xFFFFF086  }
0x1c: {  	p1 =	slt.u32 s9, $0xF7A;
	s5 =	simm.s32 @!p2 $0x0  }
0x1d: {  	s5 =	simm.s32 @p1 $0x1;
	p0 =	seq.s32 s7, s2  }
0x1e: {  	s7 =	smul.u32 @!p0 $0xF7A, s2;
	p2 =	seq.s32 @!p0 s5, $0x0  }
0x1f: {  	s9 =	smul.u32 $0xF7A, s1;
	s8 =	simm.s32 @!p0 $0x1BF5;
	p2 =	por !p2, p0  }
0x20: {  	[sflag:s8] =	ssyncset.s32 @!p0 $0xFFFFF086;
	s6 =	sadd.s32 @!p0 s3, s7;
	s7 =	simm.s32 @!p0 $0x108  }
0x21: {  	s3 =	sadd.s32 s3, s9;
	s6 =	sadd.s32 @!p0 $0x88, s6;
	s7 =	simm.s32 @p2 $0x1082  }
0x22: {  	[simem:s7], [sflag:s8] =	dma.local @!p0 [hbm:s6], $0xF7A  }
0x23: {  	s9 =	sor.u32 $0xD0000000, s2;
	s6 =	simm.s32 $0x108;
	_ =	swait.ge @!p0 [sflag:s8], $0x0  }
0x24: {  	s3 =	sadd.s32 $0x88, s3;
	s6 =	simm.s32 @!p1 $0x1082;
	[sflag:s4] =	ssyncset.s32 $0xFFFFF086  }
0x25: {  	[simem:s6], [sflag:s4] =	dma.local [hbm:s3], $0xF7A  }
0x26: {  	[smem:$0x3F9F] =	sst s1;
	(tag) =	ssettag s2;
	_ =	strace s9  }
0x27: {  	s1 =	sld [smem:$0x3FAF]  }
0x28: {  	s2 =	sld [smem:$0x3FB0]  }
0x29: {  	s4 =	sld [smem:$0x3FB2]  }
0x2a: {  	p0 =	seq.s32 s5, $0x0;
	s5 =	sld [smem:$0x3FB3]  }
0x2b: {  	s6 =	sld [smem:$0x3FB4]  }
0x2c: {  	s7 =	sld [smem:$0x3FB5]  }
0x2d: {  	s3 =	simm.s32 $0x108;
	s8 =	sld [smem:$0x3FB6]  }
0x2e: {  	s3 =	simm.s32 @!p0 $0x1082;
	s9 =	sld [smem:$0x3FB7]  }
0x2f: {  	lr =	sadd.s32 s0, s3;
	s0 =	sld [smem:$0x3FAE]  }
0x30: {  	s3 =	sld [smem:$0x3FB1]  }
0x31: {  	[smem:$0x3FBA] =	sst s10  }
0x32: {  	s10 =	sld [smem:$0x3FB8];
	_ =	sdelay $0x3  }
0x33: {  	p0 =	seq.s32 s10, $0x1;
	s10 =	sld [smem:$0x3FBA];
	_ =	sdelay $0x3  }
0x34: {  	[smem:$0x3FBA] =	sst s10  }
0x35: {  	s10 =	sld [smem:$0x3FB9];
	_ =	sdelay $0x3  }
0x36: {  	p1 =	seq.s32 s10, $0x1;
	s10 =	sld [smem:$0x3FBA];
	_ =	sdelay $0x3  }
0x37: {  	[smem:$0x3FBA] =	sst s10  }
0x38: {  	s10 =	sld [smem:$0x3FBB]  }
0x39: {  	_ = 	snop;
	(pc) =	sbr.ind lr, $3  }
0x3a: {  	_ = 	snop  }
0x3b: {  	_ = 	snop  }
0x3c: {  	p2 =	seq.s32 s10, $0x1;
	s10 =	sld [smem:$0x3FBA]  }
0x3d: {  	_ =	shalt  }
0x3e: {  	_ =	shalt  }
0x3f: {  	_ =	shalt  }
0x40: {  	_ =	shalt  }
0x41: {  	_ =	shalt  }
0x42: {  	_ =	shalt  }
0x43: {  	_ =	shalt  }
0x44: {  	_ =	shalt  }
0x45: {  	_ =	shalt  }
0x46: {  	_ =	shalt  }
0x47: {  	_ =	shalt  }
0x48: {  	_ =	shalt  }
0x49: {  	_ =	shalt  }
0x4a: {  	_ =	shalt  }
0x4b: {  	_ =	shalt  }
0x4c: {  	_ =	shalt  }
0x4d: {  	_ =	shalt  }
0x4e: {  	_ =	shalt  }
0x4f: {  	_ =	shalt  }
0x50: {  	_ =	shalt  }
0x51: {  	_ =	shalt  }
0x52: {  	_ =	shalt  }
0x53: {  	_ =	shalt  }
0x54: {  	_ =	shalt  }
0x55: {  	_ =	shalt  }
0x56: {  	_ =	shalt  }
0x57: {  	_ =	shalt  }
0x58: {  	_ =	shalt  }
0x59: {  	_ =	shalt  }
0x5a: {  	_ =	shalt  }
0x5b: {  	_ =	shalt  }
0x5c: {  	_ =	shalt  }
0x5d: {  	_ =	shalt  }
0x5e: {  	_ =	shalt  }
0x5f: {  	_ =	shalt  }
0x60: {  	_ =	shalt  }
0x61: {  	_ =	shalt  }
0x62: {  	_ =	shalt  }
0x63: {  	_ =	shalt  }
0x64: {  	_ =	shalt  }
0x65: {  	_ =	shalt  }
0x66: {  	_ =	shalt  }
0x67: {  	_ =	shalt  }
0x68: {  	_ =	shalt  }
0x69: {  	_ =	shalt  }
0x6a: {  	_ =	shalt  }
0x6b: {  	_ =	shalt  }
0x6c: {  	_ =	shalt  }
0x6d: {  	_ =	shalt  }
0x6e: {  	_ =	shalt  }
0x6f: {  	_ =	shalt  }
0x70: {  	_ =	shalt  }
0x71: {  	_ =	shalt  }
0x72: {  	_ =	shalt  }
0x73: {  	_ =	shalt  }
0x74: {  	_ =	shalt  }
0x75: {  	_ =	shalt  }
0x76: {  	_ =	shalt  }
0x77: {  	_ =	shalt  }
0x78: {  	_ =	shalt  }
0x79: {  	_ =	shalt  }
0x7a: {  	_ =	shalt  }
0x7b: {  	_ =	shalt  }
0x7c: {  	_ =	shalt  }
0x7d: {  	_ =	shalt  }
0x7e: {  	_ =	shalt  }
0x7f: {  	_ =	shalt  }
0x80: {  	_ =	shalt  }
0x81: {  	_ =	shalt  }
0x82: {  	_ =	shalt  }
0x83: {  	_ =	shalt  }
0x84: {  	_ =	shalt  }
0x85: {  	_ =	shalt  }
0x86: {  	_ =	shalt  }
0x87: {  	_ =	shalt  }
.Lfunc_end0:
.L_simem_size_0:
called_computation_lowered:
.L_overlay_start_0:
0x88: {  	s2 =	sld [smem:$0x3FD9]  }
0x89: {  	s3 =	sld [smem:$0x3FFE];
	_ =	sdelay $0x1  }
0x8a: {  	s1 =	srdreg.scid  }
0x8b: {  	s0 =	sand.u32 $0x1, s1  }
0x8c: {  	s17 =	sshll.u32 s0, $0xA;
	s2 =	sadd.s32 s3, s2  }
0x8d: {  	s2 =	sadd.s32 s2, s17  }
0x8e: {  	[smem:$0x3FC6] =	sst s2  }
0x8f: {  	_ = 	snop  }
0x90: {  	s2 =	sld [smem:$0x3FD0];
	(tm) =	ssettm $0x1  }
0x91: {  	s18 =	sld [smem:$0x3FFB];
	_ =	sdelay $0x3  }
0x92: {  	_ =	strace s18  }
0x93: {  	s3 =	sld [smem:$0x3FFC];
	_ =	sdelay $0x3  }
0x94: {  	_ =	strace s3  }
0x95: {  	s3 =	sld [smem:$0x3FFD];
	_ =	sdelay $0x3  }
0x96: {  	_ =	strace s3  }
0x97: {  	_ =	strace $0x8FFFFFFF  }
0x98: {  	s19 =	sld [smem:$0x3FDB];
	_ =	sdelay $0x1  }
0x99: {  	s4 =	simm.s32 $_scs_section_size  }
0x9a: {  	s5 =	simm.s32 $_size__tile_overlayer_lowered;
	s6 =	simm.s32 $_tile_overlayer_lowered  }
0x9b: {  	s22 =	simm.s32 $0x1BFF;
	s21 =	sshll.u32 s6, $0x1;
	s3 =	sadd.s32 s4, s19  }
0x9c: {  	s7 =	simm.s32 $0x0;
	s20 =	sshll.u32 s5, $0x1;
	s5 =	sadd.s32 s21, s3  }
0x9d: {  	[timem:s7], [sflag:s22] =	dma.local [hbm:s5], s20  }
0x9e: {  	_ =	swait.ge [sflag:s22], s20  }
0x9f: {  	s4 =	ssub.s32 $0x0, s20;
	[sflag:s22] =	ssyncset.done $0x0  }
0xa0: {  	[sflag:s22] =	ssyncadd.s32 s4;
	_ =	sdelay $0x1  }
0xa1: {  	s23 =	simm.s32 $0x1B8B  }
0xa2: {  	_ =	swait.ge [sflag:s23], $0x1  }
0xa3: {  	[sflag:s23] =	ssyncset.done $0x0  }
0xa4: {  	s25 =	simm.s32 $0x1B8E;
	s24 =	sld [smem:$0x3FFE];
	[sflag:s23] =	ssyncadd.s32 $0xFFFFFFFF  }
0xa5: {  	s26 =	simm.s32 $execute0_lowered;
	[smem:$0x3FD2] =	sst s25  }
0xa6: {  	s5 =	sshll.u32 s26, $0x1;
	_ =	strace $0x80000046;
	[dreg:$0x1] =	wrdreg $0xFFFFFFFF  }
0xa7: {  	s28 =	simm.s32 $_size_execute0_lowered;
	s3 =	sadd.s32 s3, s5;
	[dreg:$0x0] =	wrdreg $0x0  }
0xa8: {  	s5 =	sshll.u32 s28, $0x1;
	[dreg:$0x2] =	wrdreg s3  }
0xa9: {  	[dreg:$0x3] =	wrdreg s5  }
0xaa: {  	[dreg:$0x4] =	wrdreg $0xC0  }
0xab: {  	_ =	task [dreg:s7], $0x5FFFF  }
0xac: {  	[dreg:$0x1] =	wrdreg $0xFFFFFFFF  }
0xad: {  	[dreg:$0x0] =	wrdreg $0x60  }
0xae: {  	[dreg:$0x2] =	wrdreg s24  }
0xaf: {  	[dreg:$0x3] =	wrdreg s2  }
0xb0: {  	[dreg:$0x4] =	wrdreg $0x2FD00  }
0xb1: {  	[dreg:$0x5] =	wrdreg $0x9  }
0xb2: {  	_ =	task.clear_ibuf [dreg:s7], $0x6FFFF;
	_ =	strace $0x90000046  }
0xb3: {  	s29 =	simm.s32 $0x9;
	_ =	strace $0x80000048  }
0xb4: {  	_ =	swait.ge [sflag:s29], $0x1  }
0xb5: {  	[sflag:s29] =	ssyncadd.s32 $0xFFFFFFFF  }
0xb6: {  	_ =	strace $0x90000048  }
0xb7: {  	_ =	sfence  }
0xb8: {  	s30 =	sld [smem:$0x0];
	_ =	sdelay $0x2  }
0xb9: {  	s31 =	sshll.u32 s1, $0xD;
	s1 =	sshrl.u32 s1, $0x2  }
0xba: {  	s3 =	sand.u32 $0x4000, s31;
	s1 =	sadd.s32 s1, s30  }
0xbb: {  	s0 =	sor.u32 s3, s0;
	s1 =	sshll.u32 s1, $0x11  }
0xbc: {  	s0 =	sor.u32 s1, s0  }
0xbd: {  	s0 =	sadd.s32 $0x8F2B, s0  }
0xbe: {  	[sflag:s0] =	ssyncadd.remote.s32 $0x1  }
0xbf: {  	_ =	sfence.sel $0xFFFF  }
0xc0: {  	[dreg:$0x0] =	wrdreg $0xFFFFFFFF;
	(pc) =	sbr.abs _section_cstart, $3  }
0xc1: {  	[dreg:$0x1] =	wrdreg $0xFFFFFFFF  }
0xc2: {  	_ =	task.clear_ibuf [dreg:s7], $0x2FFFF;
	_ =	strace $0x9FFFFFFF  }
0xc3: {  	(tm) =	ssettm $0x7FFFFFFF  }
tec
execute0_lowered:
.L_overlay_start_1:
0x0: {  	(tag) =	ssettag $0x1  }
0x1: {  	s4 =	rddreg [dreg:$0x0];
	s1 =	srdreg.scid  }
0x2: {  	s0 =	stileid.u32;
	s7 =	rddreg [dreg:$0x1]  }
0x3: {  	s2 =	rddreg [dreg:$0x2];
	s3 =	simm.s32 $0x0;
	s12 =	simm.s32 $0x2800  }
0x4: {  	s5 =	sand.u32 $0x1, s1;
	s29 =	sshll.u32 s0, $0x1;
	s1 =	rddreg [dreg:$0x3]  }
0x5: {  	[smem:$0x7FF] =	sst s3;
	s8 =	smul.u32 $0x2800, s0;
	s31 =	sshll.u32 s0, $0x6  }
0x6: {  	s6 =	sor.u32 s5, s29;
	s9 =	ssub.s32 $0x2, s5;
	s5 =	smul.u32 $0x28000, s5  }
0x7: {  	_ =	strace $0x80000047;
	s6 =	smul.u32 $0x500, s6;
	s11 =	sshrl.u32 s9, $0x1  }
0x8: {  	s10 =	sshrl.u32 s8, $0x3;
	s30 =	sadd.s32 s8, s2;
	s9 =	ssub.s32 s9, s11  }
0x9: {  	s8 =	sadd.s32 s8, s5;
	s5 =	sor.u32 $0x1C01, s31;
	s11 =	simm.s32 $0x7D  }
0xa: {  	s6 =	sadd.s32 s6, s4;
	s4 =	sadd.s32 s10, s4;
	s8 =	sshrl.u32 s8, $0x3  }
0xb: {  	s10 =	simm.s32 $0x1;
	s4 =	sadd.s32 $0x600, s4;
	s6 =	sadd.s32 $0x5600, s6  }
0xc: {  	v0 =	vimm.f32 $1.000000000e+00;
	s7 =	sadd.s32 s7, s8;
	s8 =	smax.u32 s9, $0x1;
	s9 =	sshrl.u32 s30, $0x3  }
.LBB2_1:
0xd: {  	[spmem:s9], [sflag:s5] =	dma.local [hbm:s4], $0x500  }
0xe: {  	_ =	swait.ge [sflag:s10], $0x500  }
0xf: {  	[sflag:s10] =	ssyncset.done $0x0  }
0x10: {  	s13 =	simm.s32 $0x2820;
	[sflag:s10] =	ssyncadd.s32 $0xFFFFFB00  }
0x11: {  	[tilespmem:s13+$0xFFFFFFE0] =	vst v0  }
0x12: {  	[tilespmem:s13+$0x10] =	vst v0  }
0x13: {  	s14 =	simm.s32 $0x0;
	[tilespmem:s13+$0x0] =	vst v0  }
.LBB2_2:
0x14: {  	s14 =	sadd.s32 $0x4, s14  }
0x15: {  	[tilespmem:s13+$0xFFFFFFF0] =	vst v0;
	s13 =	sadd.s32 $0x40, s13;
	p0 =	slt.u32 s14, $0x78  }
.Ltmp0:
0x16: {  	[tilespmem:s13+$0xFFFFFFE0] =	vst v0;
	(pc) =	sbr.rel @p0 .LBB2_2-.Ltmp0, $3  }
0x17: {  	_ =	sdelay $0x1  }
0x18: {  	[tilespmem:s13+$0x10] =	vst v0  }
0x19: {  	[tilespmem:s13+$0x0] =	vst v0  }
0x1a: {  	[tilespmem:s13+$0xFFFFFFF0] =	vst v0  }
0x1b: {  	s30 =	simm.s32 $0x0;
	[tilespmem:$0x2FC0] =	vst v0  }
0x1c: {  	[tilespmem:s30], [sflag:$0x1] =	stream.linear.gather [hbm4b:s6+s30], $0x2800, $0x38;
	[tilespmem:$0x57D0] =	vst v63  }
0x1d: {  	_ =	swait.ge [sflag:s10], $0x2800  }
0x1e: {  	[sflag:s10] =	ssyncset.done $0x0  }
0x1f: {  	[sflag:s10] =	ssyncadd.s32 $0xFFFFD800  }
0x20: {  	s31 =	simm.s32 $0x0;
	[bflag:$0x0] =	sbarrier.arrive $0xFFFF  }
0x21: {  	[spmem:s2] =	stream.indirect.scatter.add.f32 [tilespmem:s12], [sflag:$0x1], $0x10, s31, s11, $0xb8;
	[tilespmem:$0x57D0] =	vst v63  }
0x22: {  	_ =	swait.ge [sflag:s10], $0x7D0  }
0x23: {  	s13 =	simm.s32 $0x200;
	[sflag:s10] =	ssyncset.done $0x0  }
.LBB2_4:
0x24: {  	s14 =	sshra.s32 s13, $0x2;
	[sflag:s10] =	ssyncadd.s32 $0xFFFFF830;
	p0 =	sne.s32 s13, $0x9E00  }
0x25: {  	[spmem:s2] =	stream.indirect.scatter.add.f32 [tilespmem:s12], [sflag:$0x1], $0x10, s14, s11, $0xb8;
	[tilespmem:$0x57D0] =	vst v63  }
.Ltmp1:
0x26: {  	_ = 	snop;
	(pc) =	sbr.rel @p0 .LBB2_4-.Ltmp1, $4  }
0x27: {  	_ = 	snop  }
0x28: {  	s13 =	sadd.s32 $0x200, s13  }
0x29: {  	_ =	swait.ge [sflag:s10], $0x7D0  }
0x2a: {  	[sflag:s10] =	ssyncset.done $0x0  }
0x2b: {  	s3 =	sadd.s32 $0x1, s3  }
0x2c: {  	[sflag:s10] =	ssyncadd.s32 $0xFFFFF830;
	p0 =	sne.s32 s3, s8  }
.Ltmp2:
0x2d: {  	[bflag:$0x0] =	sbarrier.arrive $0xFFFF;
	(pc) =	sbr.rel @p0 .LBB2_1-.Ltmp2, $4  }
0x2e: {  	[hbm:s7], [sflag:s5] =	dma.local [spmem:s9], $0x500  }
0x2f: {  	_ =	swait.ge [sflag:s10], $0x500  }
0x30: {  	[sflag:s10] =	ssyncset.done $0x0  }
0x31: {  	[sflag:s10] =	ssyncadd.s32 $0xFFFFFB00  }
0x32: {  	_ =	sfence.sel $0x180000  }
0x33: {  	[bflag:$0x0] =	sbarrier.arrive $0xFFFF  }
0x34: {  	p0 =	sne.s32 s0, $0x0;
	_ =	strace $0x90000047  }
0x35: {  	s0 =	sadd.s32 @!p0 $0x100000, s1;
	[bflag:$0x2] =	sbarrier.arrive $0xFFFF  }
0x36: {  	[sflag:s0] =	ssyncadd.tile.s32 @!p0 $0x1;
	_ =	shalt  }
.Lfunc_end2:
_tile_overlayer_lowered:
.L_overlay_start_2:
0x37: {  	(tag) =	ssettag $0x2  }
0x38: {  	s0 =	rddreg [dreg:$0x0];
	s2 =	stileid.u32  }
0x39: {  	s1 =	rddreg [dreg:$0x1];
	p0 =	sne.s32 s2, $0x0  }
0x3a: {  	s3 =	rddreg [dreg:$0x2];
	[bflag:$0x3] =	sbarrier.arrive $0xFFFF;
	s2 =	simm.s32 @!p0 $0x1C01  }
0x3b: {  	[timem:s3], [sflag:s2] =	dma.local @!p0 [hbm:s0], s1  }
0x3c: {  	s0 =	simm.s32 @!p0 $0x1  }
0x3d: {  	_ =	swait.ge @!p0 [sflag:s0], s1  }
0x3e: {  	s1 =	ssub.s32 @!p0 $0x0, s1;
	[sflag:s0] =	ssyncset.done @!p0 $0x0  }
0x3f: {  	[sflag:s0] =	ssyncadd.s32 @!p0 s1  }
0x40: {  	[bflag:$0x3] =	sbarrier.arrive $0xFFFF  }
0x41: {  	_ =	shalt  }

</sc_bundles>
